<compile_context>
chip_gen: v7x
topology: tpu7x:2x2x1
jax: 0.10.2.dev20260603
libtpu: 0.0.44.dev20260713+nightly
codegen_flags: <defaults>
</compile_context>

<pallas_src>
import functools

import jax
import jax.numpy as jnp
from jax import lax
from jax.experimental import pallas as pl
from jax.experimental.pallas import tpu as pltpu
from jax.experimental.pallas import tpu_sc as plsc

_SEQ = 8192
_DIM = 64
_NC = 2
_NS = 16
_NW = _NC * _NS
_BPW = _SEQ // _NW


def _body(x_hbm, tok_hbm, pos_hbm, out_hbm, idx_v, pidx_v, acc_v, sem):
    wid = lax.axis_index("s") * _NC + lax.axis_index("c")
    base = wid * _BPW
    pltpu.sync_copy(x_hbm.at[pl.ds(base, _BPW)], idx_v)
    top = _SEQ - 1 - base
    for t in range(_BPW // 16):
        pidx_v[pl.ds(t * 16, 16)] = (top - t * 16) - lax.iota(jnp.int32, 16)
    pltpu.async_copy(pos_hbm.at[pidx_v], acc_v, sem).wait()
    pltpu.async_copy(tok_hbm.at[idx_v], acc_v, sem, add=True).wait()
    pltpu.sync_copy(acc_v, out_hbm.at[pl.ds(base, _BPW)])


@jax.jit
def kernel(x, token_table, pos_table):
    run = pl.kernel(
        _body,
        out_type=jax.ShapeDtypeStruct((_SEQ, _DIM), jnp.float32),
        mesh=plsc.VectorSubcoreMesh(
            core_axis_name="c", subcore_axis_name="s",
            num_cores=_NC, num_subcores=_NS,
        ),
        scratch_types=[
            pltpu.VMEM((_BPW,), jnp.int32),
            pltpu.VMEM((_BPW,), jnp.int32),
            pltpu.VMEM((_BPW, _DIM), jnp.float32),
            pltpu.SemaphoreType.DMA,
        ],
        compiler_params=pltpu.CompilerParams(use_tc_tiling_on_sc=False),
    )
    return run(x.astype(jnp.int32), token_table, pos_table)

# --- scband reference (transcript-rebuilt; emitter-appended) ---
"""Pipeline reference for scband-sequence-embedding-12086037971233 (READ-ONLY COPY).

The authoritative reference and input builder live on the scoring server;
editing this copy changes nothing except your own understanding.
"""

import jax, jax.numpy as jnp
import numpy as np

VOCAB = 1000000
EMBED_DIM = 64
MAX_CTX = 8192
SEQ_LEN = 8192

def setup_inputs(seed: int = 0) -> dict:
    key = jax.random.key(seed)
    k1, k2, k3 = jax.random.split(key, 3)
    x = jax.random.randint(k1, (SEQ_LEN,), 0, VOCAB, dtype=jnp.int64 if jax.config.jax_enable_x64 else jnp.int32)
    token_table = jax.random.normal(k2, (VOCAB, EMBED_DIM), dtype=jnp.float32) * 0.02
    pos_table = jax.random.normal(k3, (MAX_CTX, EMBED_DIM), dtype=jnp.float32) * 0.02
    return {"x": x, "token_table": token_table, "pos_table": pos_table}

def reference(x, token_table, pos_table):
    # pos = arange(len(x)) reversed, as in the flax module
    pos = jnp.arange(x.shape[0])[::-1]
    token_embedding = jnp.take(token_table, x, axis=0)
    position_embedding = jnp.take(pos_table, pos, axis=0)
    return token_embedding + position_embedding

if __name__ == "__main__":
    import jax
    _d = setup_inputs()
    print(jax.jit(kernel)(*tuple(_d.values())))

</pallas_src>

<mosaic_0001>
#map = affine_map<(d0, d1) -> (0)>
#map1 = affine_map<(d0, d1) -> (0, 0)>
module attributes {stable_mosaic.version = 14 : i64} {
  func.func @_body(%arg0: i32, %arg1: i32, %arg2: memref<8192xi32, #tpu.memory_space<hbm>>, %arg3: memref<1000000x64xf32, #tpu.memory_space<hbm>>, %arg4: memref<8192x64xf32, #tpu.memory_space<hbm>>, %arg5: memref<8192x64xf32, #tpu.memory_space<hbm>>, %arg6: memref<256xi32, #tpu.memory_space<vmem>>, %arg7: memref<256xi32, #tpu.memory_space<vmem>>, %arg8: memref<256x64xf32, #tpu.memory_space<vmem>>, %arg9: memref<!tpu.dma_semaphore, #tpu.memory_space<semaphore_mem>>) attributes {dimension_semantics = [#tpu.dimension_semantics<core_parallel>, #tpu.dimension_semantics<subcore_parallel>], iteration_bounds = array<i64: 2, 16>, scalar_prefetch = 0 : i64, scratch_operands = 4 : i64, tpu.core_type = #tpu.core_type<sc_vector_subcore>, window_params = [{transform_indices = #map}, {transform_indices = #map1}, {transform_indices = #map1}, {transform_indices = #map1}]} {
    %mul3A = arith.constant 2 : i32
    %mul3A_0 = arith.muli %arg1, %mul3A : i32
    %add3A = arith.addi %mul3A_0, %arg0 : i32
    %mul3A_1 = arith.constant 256 : i32
    %mul3A_2 = arith.muli %add3A, %mul3A_1 : i32
    "tpu.region"() ({
      %run_scoped3A = tpu.sem_alloc : memref<!tpu.dma_semaphore, #tpu.memory_space<semaphore_mem>>
      %dma_start3A_156 = tpu.memref_slice %arg2[%mul3A_2] : memref<8192xi32, #tpu.memory_space<hbm>> -> memref<256xi32, #tpu.memory_space<hbm>>
      %dma_start3A_157 = tpu.memref_slice %arg2[%mul3A_2] : memref<8192xi32, #tpu.memory_space<hbm>> -> memref<256xi32, #tpu.memory_space<hbm>>
      tpu.enqueue_dma source(%dma_start3A_157 : memref<256xi32, #tpu.memory_space<hbm>>) target(%arg6 : memref<256xi32, #tpu.memory_space<vmem>>) target_semaphore(%run_scoped3A : memref<!tpu.dma_semaphore, #tpu.memory_space<semaphore_mem>>)
      %dma_wait3A_158 = tpu.memref_slice %arg2[%mul3A_2] : memref<8192xi32, #tpu.memory_space<hbm>> -> memref<256xi32, #tpu.memory_space<hbm>>
      %dma_wait3A_159 = tpu.memref_slice %arg2[%mul3A_2] : memref<8192xi32, #tpu.memory_space<hbm>> -> memref<256xi32, #tpu.memory_space<hbm>>
      tpu.wait_dma2 semaphore(%run_scoped3A : memref<!tpu.dma_semaphore, #tpu.memory_space<semaphore_mem>>) src(%dma_wait3A_159 : memref<256xi32, #tpu.memory_space<hbm>>) dst(%arg6 : memref<256xi32, #tpu.memory_space<vmem>>)
      tpu.yield
    }) : () -> ()
    %sub3A = arith.constant 8191 : i32
    %sub3A_3 = arith.subi %sub3A, %mul3A_2 : i32
    %sub3A_4 = arith.constant 0 : i32
    %sub3A_5 = arith.subi %sub3A_3, %sub3A_4 : i32
    %iota3A = tpu.iota {dimensions = array<i32: 0>} : vector<16xi32>
    %sub3A_6 = vector.broadcast %sub3A_5 : i32 to vector<16xi32>
    %sub3A_7 = arith.subi %sub3A_6, %iota3A : vector<16xi32>
    %swap3A = arith.constant 0 : index
    %swap3A_8 = tpu.vector_load %arg7[%swap3A] {strides = array<i32>} : memref<256xi32, #tpu.memory_space<vmem>>, vector<16xi32>,
    %swap3A_9 = vector.shape_cast %swap3A_8 : vector<16xi32> to vector<16xi32>
    %swap3A_10 = vector.shape_cast %sub3A_7 : vector<16xi32> to vector<16xi32>
    tpu.vector_store %arg7[%swap3A], %swap3A_10 {strides = array<i32>} : memref<256xi32, #tpu.memory_space<vmem>>, vector<16xi32>,
    %sub3A_11 = arith.constant 16 : i32
    %sub3A_12 = arith.subi %sub3A_3, %sub3A_11 : i32
    %iota3A_13 = tpu.iota {dimensions = array<i32: 0>} : vector<16xi32>
    %sub3A_14 = vector.broadcast %sub3A_12 : i32 to vector<16xi32>
    %sub3A_15 = arith.subi %sub3A_14, %iota3A_13 : vector<16xi32>
    %swap3A_16 = arith.constant 16 : index
    %swap3A_17 = tpu.vector_load %arg7[%swap3A_16] {strides = array<i32>} : memref<256xi32, #tpu.memory_space<vmem>>, vector<16xi32>,
    %swap3A_18 = vector.shape_cast %swap3A_17 : vector<16xi32> to vector<16xi32>
    %swap3A_19 = vector.shape_cast %sub3A_15 : vector<16xi32> to vector<16xi32>
    tpu.vector_store %arg7[%swap3A_16], %swap3A_19 {strides = array<i32>} : memref<256xi32, #tpu.memory_space<vmem>>, vector<16xi32>,
    %sub3A_20 = arith.constant 32 : i32
    %sub3A_21 = arith.subi %sub3A_3, %sub3A_20 : i32
    %iota3A_22 = tpu.iota {dimensions = array<i32: 0>} : vector<16xi32>
    %sub3A_23 = vector.broadcast %sub3A_21 : i32 to vector<16xi32>
    %sub3A_24 = arith.subi %sub3A_23, %iota3A_22 : vector<16xi32>
    %swap3A_25 = arith.constant 32 : index
    %swap3A_26 = tpu.vector_load %arg7[%swap3A_25] {strides = array<i32>} : memref<256xi32, #tpu.memory_space<vmem>>, vector<16xi32>,
    %swap3A_27 = vector.shape_cast %swap3A_26 : vector<16xi32> to vector<16xi32>
    %swap3A_28 = vector.shape_cast %sub3A_24 : vector<16xi32> to vector<16xi32>
    tpu.vector_store %arg7[%swap3A_25], %swap3A_28 {strides = array<i32>} : memref<256xi32, #tpu.memory_space<vmem>>, vector<16xi32>,
    %sub3A_29 = arith.constant 48 : i32
    %sub3A_30 = arith.subi %sub3A_3, %sub3A_29 : i32
    %iota3A_31 = tpu.iota {dimensions = array<i32: 0>} : vector<16xi32>
    %sub3A_32 = vector.broadcast %sub3A_30 : i32 to vector<16xi32>
    %sub3A_33 = arith.subi %sub3A_32, %iota3A_31 : vector<16xi32>
    %swap3A_34 = arith.constant 48 : index
    %swap3A_35 = tpu.vector_load %arg7[%swap3A_34] {strides = array<i32>} : memref<256xi32, #tpu.memory_space<vmem>>, vector<16xi32>,
    %swap3A_36 = vector.shape_cast %swap3A_35 : vector<16xi32> to vector<16xi32>
    %swap3A_37 = vector.shape_cast %sub3A_33 : vector<16xi32> to vector<16xi32>
    tpu.vector_store %arg7[%swap3A_34], %swap3A_37 {strides = array<i32>} : memref<256xi32, #tpu.memory_space<vmem>>, vector<16xi32>,
    %sub3A_38 = arith.constant 64 : i32
    %sub3A_39 = arith.subi %sub3A_3, %sub3A_38 : i32
    %iota3A_40 = tpu.iota {dimensions = array<i32: 0>} : vector<16xi32>
    %sub3A_41 = vector.broadcast %sub3A_39 : i32 to vector<16xi32>
    %sub3A_42 = arith.subi %sub3A_41, %iota3A_40 : vector<16xi32>
    %swap3A_43 = arith.constant 64 : index
    %swap3A_44 = tpu.vector_load %arg7[%swap3A_43] {strides = array<i32>} : memref<256xi32, #tpu.memory_space<vmem>>, vector<16xi32>,
    %swap3A_45 = vector.shape_cast %swap3A_44 : vector<16xi32> to vector<16xi32>
    %swap3A_46 = vector.shape_cast %sub3A_42 : vector<16xi32> to vector<16xi32>
    tpu.vector_store %arg7[%swap3A_43], %swap3A_46 {strides = array<i32>} : memref<256xi32, #tpu.memory_space<vmem>>, vector<16xi32>,
    %sub3A_47 = arith.constant 80 : i32
    %sub3A_48 = arith.subi %sub3A_3, %sub3A_47 : i32
    %iota3A_49 = tpu.iota {dimensions = array<i32: 0>} : vector<16xi32>
    %sub3A_50 = vector.broadcast %sub3A_48 : i32 to vector<16xi32>
    %sub3A_51 = arith.subi %sub3A_50, %iota3A_49 : vector<16xi32>
    %swap3A_52 = arith.constant 80 : index
    %swap3A_53 = tpu.vector_load %arg7[%swap3A_52] {strides = array<i32>} : memref<256xi32, #tpu.memory_space<vmem>>, vector<16xi32>,
    %swap3A_54 = vector.shape_cast %swap3A_53 : vector<16xi32> to vector<16xi32>
    %swap3A_55 = vector.shape_cast %sub3A_51 : vector<16xi32> to vector<16xi32>
    tpu.vector_store %arg7[%swap3A_52], %swap3A_55 {strides = array<i32>} : memref<256xi32, #tpu.memory_space<vmem>>, vector<16xi32>,
    %sub3A_56 = arith.constant 96 : i32
    %sub3A_57 = arith.subi %sub3A_3, %sub3A_56 : i32
    %iota3A_58 = tpu.iota {dimensions = array<i32: 0>} : vector<16xi32>
    %sub3A_59 = vector.broadcast %sub3A_57 : i32 to vector<16xi32>
    %sub3A_60 = arith.subi %sub3A_59, %iota3A_58 : vector<16xi32>
    %swap3A_61 = arith.constant 96 : index
    %swap3A_62 = tpu.vector_load %arg7[%swap3A_61] {strides = array<i32>} : memref<256xi32, #tpu.memory_space<vmem>>, vector<16xi32>,
    %swap3A_63 = vector.shape_cast %swap3A_62 : vector<16xi32> to vector<16xi32>
    %swap3A_64 = vector.shape_cast %sub3A_60 : vector<16xi32> to vector<16xi32>
    tpu.vector_store %arg7[%swap3A_61], %swap3A_64 {strides = array<i32>} : memref<256xi32, #tpu.memory_space<vmem>>, vector<16xi32>,
    %sub3A_65 = arith.constant 112 : i32
    %sub3A_66 = arith.subi %sub3A_3, %sub3A_65 : i32
    %iota3A_67 = tpu.iota {dimensions = array<i32: 0>} : vector<16xi32>
    %sub3A_68 = vector.broadcast %sub3A_66 : i32 to vector<16xi32>
    %sub3A_69 = arith.subi %sub3A_68, %iota3A_67 : vector<16xi32>
    %swap3A_70 = arith.constant 112 : index
    %swap3A_71 = tpu.vector_load %arg7[%swap3A_70] {strides = array<i32>} : memref<256xi32, #tpu.memory_space<vmem>>, vector<16xi32>,
    %swap3A_72 = vector.shape_cast %swap3A_71 : vector<16xi32> to vector<16xi32>
    %swap3A_73 = vector.shape_cast %sub3A_69 : vector<16xi32> to vector<16xi32>
    tpu.vector_store %arg7[%swap3A_70], %swap3A_73 {strides = array<i32>} : memref<256xi32, #tpu.memory_space<vmem>>, vector<16xi32>,
    %sub3A_74 = arith.constant 128 : i32
    %sub3A_75 = arith.subi %sub3A_3, %sub3A_74 : i32
    %iota3A_76 = tpu.iota {dimensions = array<i32: 0>} : vector<16xi32>
    %sub3A_77 = vector.broadcast %sub3A_75 : i32 to vector<16xi32>
    %sub3A_78 = arith.subi %sub3A_77, %iota3A_76 : vector<16xi32>
    %swap3A_79 = arith.constant 128 : index
    %swap3A_80 = tpu.vector_load %arg7[%swap3A_79] {strides = array<i32>} : memref<256xi32, #tpu.memory_space<vmem>>, vector<16xi32>,
    %swap3A_81 = vector.shape_cast %swap3A_80 : vector<16xi32> to vector<16xi32>
    %swap3A_82 = vector.shape_cast %sub3A_78 : vector<16xi32> to vector<16xi32>
    tpu.vector_store %arg7[%swap3A_79], %swap3A_82 {strides = array<i32>} : memref<256xi32, #tpu.memory_space<vmem>>, vector<16xi32>,
    %sub3A_83 = arith.constant 144 : i32
    %sub3A_84 = arith.subi %sub3A_3, %sub3A_83 : i32
    %iota3A_85 = tpu.iota {dimensions = array<i32: 0>} : vector<16xi32>
    %sub3A_86 = vector.broadcast %sub3A_84 : i32 to vector<16xi32>
    %sub3A_87 = arith.subi %sub3A_86, %iota3A_85 : vector<16xi32>
    %swap3A_88 = arith.constant 144 : index
    %swap3A_89 = tpu.vector_load %arg7[%swap3A_88] {strides = array<i32>} : memref<256xi32, #tpu.memory_space<vmem>>, vector<16xi32>,
    %swap3A_90 = vector.shape_cast %swap3A_89 : vector<16xi32> to vector<16xi32>
    %swap3A_91 = vector.shape_cast %sub3A_87 : vector<16xi32> to vector<16xi32>
    tpu.vector_store %arg7[%swap3A_88], %swap3A_91 {strides = array<i32>} : memref<256xi32, #tpu.memory_space<vmem>>, vector<16xi32>,
    %sub3A_92 = arith.constant 160 : i32
    %sub3A_93 = arith.subi %sub3A_3, %sub3A_92 : i32
    %iota3A_94 = tpu.iota {dimensions = array<i32: 0>} : vector<16xi32>
    %sub3A_95 = vector.broadcast %sub3A_93 : i32 to vector<16xi32>
    %sub3A_96 = arith.subi %sub3A_95, %iota3A_94 : vector<16xi32>
    %swap3A_97 = arith.constant 160 : index
    %swap3A_98 = tpu.vector_load %arg7[%swap3A_97] {strides = array<i32>} : memref<256xi32, #tpu.memory_space<vmem>>, vector<16xi32>,
    %swap3A_99 = vector.shape_cast %swap3A_98 : vector<16xi32> to vector<16xi32>
    %swap3A_100 = vector.shape_cast %sub3A_96 : vector<16xi32> to vector<16xi32>
    tpu.vector_store %arg7[%swap3A_97], %swap3A_100 {strides = array<i32>} : memref<256xi32, #tpu.memory_space<vmem>>, vector<16xi32>,
    %sub3A_101 = arith.constant 176 : i32
    %sub3A_102 = arith.subi %sub3A_3, %sub3A_101 : i32
    %iota3A_103 = tpu.iota {dimensions = array<i32: 0>} : vector<16xi32>
    %sub3A_104 = vector.broadcast %sub3A_102 : i32 to vector<16xi32>
    %sub3A_105 = arith.subi %sub3A_104, %iota3A_103 : vector<16xi32>
    %swap3A_106 = arith.constant 176 : index
    %swap3A_107 = tpu.vector_load %arg7[%swap3A_106] {strides = array<i32>} : memref<256xi32, #tpu.memory_space<vmem>>, vector<16xi32>,
    %swap3A_108 = vector.shape_cast %swap3A_107 : vector<16xi32> to vector<16xi32>
    %swap3A_109 = vector.shape_cast %sub3A_105 : vector<16xi32> to vector<16xi32>
    tpu.vector_store %arg7[%swap3A_106], %swap3A_109 {strides = array<i32>} : memref<256xi32, #tpu.memory_space<vmem>>, vector<16xi32>,
    %sub3A_110 = arith.constant 192 : i32
    %sub3A_111 = arith.subi %sub3A_3, %sub3A_110 : i32
    %iota3A_112 = tpu.iota {dimensions = array<i32: 0>} : vector<16xi32>
    %sub3A_113 = vector.broadcast %sub3A_111 : i32 to vector<16xi32>
    %sub3A_114 = arith.subi %sub3A_113, %iota3A_112 : vector<16xi32>
    %swap3A_115 = arith.constant 192 : index
    %swap3A_116 = tpu.vector_load %arg7[%swap3A_115] {strides = array<i32>} : memref<256xi32, #tpu.memory_space<vmem>>, vector<16xi32>,
    %swap3A_117 = vector.shape_cast %swap3A_116 : vector<16xi32> to vector<16xi32>
    %swap3A_118 = vector.shape_cast %sub3A_114 : vector<16xi32> to vector<16xi32>
    tpu.vector_store %arg7[%swap3A_115], %swap3A_118 {strides = array<i32>} : memref<256xi32, #tpu.memory_space<vmem>>, vector<16xi32>,
    %sub3A_119 = arith.constant 208 : i32
    %sub3A_120 = arith.subi %sub3A_3, %sub3A_119 : i32
    %iota3A_121 = tpu.iota {dimensions = array<i32: 0>} : vector<16xi32>
    %sub3A_122 = vector.broadcast %sub3A_120 : i32 to vector<16xi32>
    %sub3A_123 = arith.subi %sub3A_122, %iota3A_121 : vector<16xi32>
    %swap3A_124 = arith.constant 208 : index
    %swap3A_125 = tpu.vector_load %arg7[%swap3A_124] {strides = array<i32>} : memref<256xi32, #tpu.memory_space<vmem>>, vector<16xi32>,
    %swap3A_126 = vector.shape_cast %swap3A_125 : vector<16xi32> to vector<16xi32>
    %swap3A_127 = vector.shape_cast %sub3A_123 : vector<16xi32> to vector<16xi32>
    tpu.vector_store %arg7[%swap3A_124], %swap3A_127 {strides = array<i32>} : memref<256xi32, #tpu.memory_space<vmem>>, vector<16xi32>,
    %sub3A_128 = arith.constant 224 : i32
    %sub3A_129 = arith.subi %sub3A_3, %sub3A_128 : i32
    %iota3A_130 = tpu.iota {dimensions = array<i32: 0>} : vector<16xi32>
    %sub3A_131 = vector.broadcast %sub3A_129 : i32 to vector<16xi32>
    %sub3A_132 = arith.subi %sub3A_131, %iota3A_130 : vector<16xi32>
    %swap3A_133 = arith.constant 224 : index
    %swap3A_134 = tpu.vector_load %arg7[%swap3A_133] {strides = array<i32>} : memref<256xi32, #tpu.memory_space<vmem>>, vector<16xi32>,
    %swap3A_135 = vector.shape_cast %swap3A_134 : vector<16xi32> to vector<16xi32>
    %swap3A_136 = vector.shape_cast %sub3A_132 : vector<16xi32> to vector<16xi32>
    tpu.vector_store %arg7[%swap3A_133], %swap3A_136 {strides = array<i32>} : memref<256xi32, #tpu.memory_space<vmem>>, vector<16xi32>,
    %sub3A_137 = arith.constant 240 : i32
    %sub3A_138 = arith.subi %sub3A_3, %sub3A_137 : i32
    %iota3A_139 = tpu.iota {dimensions = array<i32: 0>} : vector<16xi32>
    %sub3A_140 = vector.broadcast %sub3A_138 : i32 to vector<16xi32>
    %sub3A_141 = arith.subi %sub3A_140, %iota3A_139 : vector<16xi32>
    %swap3A_142 = arith.constant 240 : index
    %swap3A_143 = tpu.vector_load %arg7[%swap3A_142] {strides = array<i32>} : memref<256xi32, #tpu.memory_space<vmem>>, vector<16xi32>,
    %swap3A_144 = vector.shape_cast %swap3A_143 : vector<16xi32> to vector<16xi32>
    %swap3A_145 = vector.shape_cast %sub3A_141 : vector<16xi32> to vector<16xi32>
    tpu.vector_store %arg7[%swap3A_142], %swap3A_145 {strides = array<i32>} : memref<256xi32, #tpu.memory_space<vmem>>, vector<16xi32>,
    %dma_start3A = arith.constant 0 : i32
    %dma_start3A_146 = arith.constant 0 : i32
    %dma_start3A_147 = tpu.memref_slice %arg4[%dma_start3A, %dma_start3A_146] : memref<8192x64xf32, #tpu.memory_space<hbm>> -> memref<8192x64xf32, #tpu.memory_space<hbm>>
    tpu.enqueue_indirect_dma source(%dma_start3A_147 : memref<8192x64xf32, #tpu.memory_space<hbm>>) target(%arg8 : memref<256x64xf32, #tpu.memory_space<vmem>>) offsets(%arg7 : memref<256xi32, #tpu.memory_space<vmem>>) semaphore(%arg9 : memref<!tpu.dma_semaphore, #tpu.memory_space<semaphore_mem>>)
    %dma_wait3A = arith.constant 0 : i32
    %dma_wait3A_148 = arith.constant 0 : i32
    %dma_wait3A_149 = tpu.memref_slice %arg4[%dma_wait3A, %dma_wait3A_148] : memref<8192x64xf32, #tpu.memory_space<hbm>> -> memref<8192x64xf32, #tpu.memory_space<hbm>>
    tpu.wait_indirect_dma semaphore(%arg9 : memref<!tpu.dma_semaphore, #tpu.memory_space<semaphore_mem>>) src(%dma_wait3A_149 : memref<8192x64xf32, #tpu.memory_space<hbm>>) dst(%arg8 : memref<256x64xf32, #tpu.memory_space<vmem>>)
    %dma_start3A_150 = arith.constant 0 : i32
    %dma_start3A_151 = arith.constant 0 : i32
    %dma_start3A_152 = tpu.memref_slice %arg3[%dma_start3A_150, %dma_start3A_151] : memref<1000000x64xf32, #tpu.memory_space<hbm>> -> memref<1000000x64xf32, #tpu.memory_space<hbm>>
    tpu.enqueue_indirect_dma source(%dma_start3A_152 : memref<1000000x64xf32, #tpu.memory_space<hbm>>) target(%arg8 : memref<256x64xf32, #tpu.memory_space<vmem>>) offsets(%arg6 : memref<256xi32, #tpu.memory_space<vmem>>) semaphore(%arg9 : memref<!tpu.dma_semaphore, #tpu.memory_space<semaphore_mem>>) {add = true}
    %dma_wait3A_153 = arith.constant 0 : i32
    %dma_wait3A_154 = arith.constant 0 : i32
    %dma_wait3A_155 = tpu.memref_slice %arg3[%dma_wait3A_153, %dma_wait3A_154] : memref<1000000x64xf32, #tpu.memory_space<hbm>> -> memref<1000000x64xf32, #tpu.memory_space<hbm>>
    tpu.wait_indirect_dma semaphore(%arg9 : memref<!tpu.dma_semaphore, #tpu.memory_space<semaphore_mem>>) src(%dma_wait3A_155 : memref<1000000x64xf32, #tpu.memory_space<hbm>>) dst(%arg8 : memref<256x64xf32, #tpu.memory_space<vmem>>)
    "tpu.region"() ({
      %run_scoped3A = tpu.sem_alloc : memref<!tpu.dma_semaphore, #tpu.memory_space<semaphore_mem>>
      %dma_start3A_156 = arith.constant 0 : i32
      %dma_start3A_157 = tpu.memref_slice %arg5[%mul3A_2, %dma_start3A_156] : memref<8192x64xf32, #tpu.memory_space<hbm>> -> memref<256x64xf32, #tpu.memory_space<hbm>>
      %dma_start3A_158 = arith.constant 0 : i32
      %dma_start3A_159 = tpu.memref_slice %arg5[%mul3A_2, %dma_start3A_158] : memref<8192x64xf32, #tpu.memory_space<hbm>> -> memref<256x64xf32, #tpu.memory_space<hbm>>
      tpu.enqueue_dma source(%arg8 : memref<256x64xf32, #tpu.memory_space<vmem>>) target(%dma_start3A_159 : memref<256x64xf32, #tpu.memory_space<hbm>>) target_semaphore(%run_scoped3A : memref<!tpu.dma_semaphore, #tpu.memory_space<semaphore_mem>>)
      %dma_wait3A_160 = arith.constant 0 : i32
      %dma_wait3A_161 = tpu.memref_slice %arg5[%mul3A_2, %dma_wait3A_160] : memref<8192x64xf32, #tpu.memory_space<hbm>> -> memref<256x64xf32, #tpu.memory_space<hbm>>
      %dma_wait3A_162 = arith.constant 0 : i32
      %dma_wait3A_163 = tpu.memref_slice %arg5[%mul3A_2, %dma_wait3A_162] : memref<8192x64xf32, #tpu.memory_space<hbm>> -> memref<256x64xf32, #tpu.memory_space<hbm>>
      tpu.wait_dma2 semaphore(%run_scoped3A : memref<!tpu.dma_semaphore, #tpu.memory_space<semaphore_mem>>) src(%arg8 : memref<256x64xf32, #tpu.memory_space<vmem>>) dst(%dma_wait3A_163 : memref<256x64xf32, #tpu.memory_space<hbm>>)
      tpu.yield
    }) : () -> ()
    return
  }
}

</mosaic_0001>

<sc_bundles>
// kernel: kernel.3.cloned.1.call-start
scs
__scs_entry_jumppad:
0x0: {  	(pc) =	sbr.rel $0x88, $3  }
0x1: {  	(tag) =	ssettag $0x0;
	lr =	simm.s32 $0x1  }
0x2: {  	[smem:$0x3F9E] =	sst lr;
	_ =	strace $0xD0000000  }
0x3: {  	_ = 	snop  }
0x4: {  	_ = 	snop  }
0x5: {  	_ = 	snop  }
0x6: {  	_ = 	snop  }
0x7: {  	_ = 	snop  }
__scs_overlays_trampoline_lowered:
0x8: {  	[smem:$0x3FAD] =	sst s0  }
0x9: {  	[smem:$0x3FAE] =	sst s1  }
0xa: {  	[smem:$0x3FAF] =	sst s2  }
0xb: {  	[smem:$0x3FB0] =	sst s3  }
0xc: {  	[smem:$0x3FB1] =	sst s4  }
0xd: {  	[smem:$0x3FB2] =	sst s5  }
0xe: {  	[smem:$0x3FB3] =	sst s6  }
0xf: {  	[smem:$0x3FB4] =	sst s7  }
0x10: {  	[smem:$0x3FB5] =	sst s8  }
0x11: {  	[smem:$0x3FB6] =	sst s9;
	s0 =	simm.s32 @!p0 $0x0  }
0x12: {  	s1 =	sld [smem:$0x3F9C];
	s0 =	simm.s32 @p0 $0x1  }
0x13: {  	[smem:$0x3FB7] =	sst s0;
	s0 =	simm.s32 @!p1 $0x0  }
0x14: {  	s2 =	sld [smem:$0x3F9B];
	s0 =	simm.s32 @p1 $0x1  }
0x15: {  	[smem:$0x3FB8] =	sst s0;
	s0 =	simm.s32 @!p2 $0x0  }
0x16: {  	s3 =	sld [smem:$0x3FDB];
	s0 =	simm.s32 @p2 $0x1  }
0x17: {  	s4 =	simm.s32 $0x1BF5;
	[smem:$0x3FBA] =	sst s0  }
0x18: {  	s0 =	sld [smem:$0x3F9D];
	_ =	swait.ge [sflag:s4], $0x0  }
0x19: {  	s7 =	sld [smem:$0x3F9E]  }
0x1a: {  	s8 =	sadd.s32 $0xFFFFE003, lr  }
0x1b: {  	s9 =	sadd.s32 $0xFFFFFEF7, lr;
	s5 =	simm.s32 $0xFFFFFFFF;
	p2 =	slt.u32 s8, $0xFFFFF086  }
0x1c: {  	p1 =	slt.u32 s9, $0xF7A;
	s5 =	simm.s32 @!p2 $0x0  }
0x1d: {  	s5 =	simm.s32 @p1 $0x1;
	p0 =	seq.s32 s7, s2  }
0x1e: {  	s7 =	smul.u32 @!p0 $0xF7A, s2;
	p2 =	seq.s32 @!p0 s5, $0x0  }
0x1f: {  	s9 =	smul.u32 $0xF7A, s1;
	s8 =	simm.s32 @!p0 $0x1BF5;
	p2 =	por !p2, p0  }
0x20: {  	[sflag:s8] =	ssyncset.s32 @!p0 $0xFFFFF086;
	s6 =	sadd.s32 @!p0 s3, s7;
	s7 =	simm.s32 @!p0 $0x108  }
0x21: {  	s3 =	sadd.s32 s3, s9;
	s6 =	sadd.s32 @!p0 $0x88, s6;
	s7 =	simm.s32 @p2 $0x1082  }
0x22: {  	[simem:s7], [sflag:s8] =	dma.local @!p0 [hbm:s6], $0xF7A  }
0x23: {  	s9 =	sor.u32 $0xD0000000, s2;
	s6 =	simm.s32 $0x108;
	_ =	swait.ge @!p0 [sflag:s8], $0x0  }
0x24: {  	s3 =	sadd.s32 $0x88, s3;
	s6 =	simm.s32 @!p1 $0x1082;
	[sflag:s4] =	ssyncset.s32 $0xFFFFF086  }
0x25: {  	[simem:s6], [sflag:s4] =	dma.local [hbm:s3], $0xF7A  }
0x26: {  	[smem:$0x3F9E] =	sst s1;
	(tag) =	ssettag s2;
	_ =	strace s9  }
0x27: {  	s1 =	sld [smem:$0x3FAE]  }
0x28: {  	s2 =	sld [smem:$0x3FAF]  }
0x29: {  	s4 =	sld [smem:$0x3FB1]  }
0x2a: {  	p0 =	seq.s32 s5, $0x0;
	s5 =	sld [smem:$0x3FB2]  }
0x2b: {  	s6 =	sld [smem:$0x3FB3]  }
0x2c: {  	s7 =	sld [smem:$0x3FB4]  }
0x2d: {  	s3 =	simm.s32 $0x108;
	s8 =	sld [smem:$0x3FB5]  }
0x2e: {  	s3 =	simm.s32 @!p0 $0x1082;
	s9 =	sld [smem:$0x3FB6]  }
0x2f: {  	lr =	sadd.s32 s0, s3;
	s0 =	sld [smem:$0x3FAD]  }
0x30: {  	s3 =	sld [smem:$0x3FB0]  }
0x31: {  	[smem:$0x3FB9] =	sst s10  }
0x32: {  	s10 =	sld [smem:$0x3FB7];
	_ =	sdelay $0x3  }
0x33: {  	p0 =	seq.s32 s10, $0x1;
	s10 =	sld [smem:$0x3FB9];
	_ =	sdelay $0x3  }
0x34: {  	[smem:$0x3FB9] =	sst s10  }
0x35: {  	s10 =	sld [smem:$0x3FB8];
	_ =	sdelay $0x3  }
0x36: {  	p1 =	seq.s32 s10, $0x1;
	s10 =	sld [smem:$0x3FB9];
	_ =	sdelay $0x3  }
0x37: {  	[smem:$0x3FB9] =	sst s10  }
0x38: {  	s10 =	sld [smem:$0x3FBA]  }
0x39: {  	_ = 	snop;
	(pc) =	sbr.ind lr, $3  }
0x3a: {  	_ = 	snop  }
0x3b: {  	_ = 	snop  }
0x3c: {  	p2 =	seq.s32 s10, $0x1;
	s10 =	sld [smem:$0x3FB9]  }
0x3d: {  	_ =	shalt  }
0x3e: {  	_ =	shalt  }
0x3f: {  	_ =	shalt  }
0x40: {  	_ =	shalt  }
0x41: {  	_ =	shalt  }
0x42: {  	_ =	shalt  }
0x43: {  	_ =	shalt  }
0x44: {  	_ =	shalt  }
0x45: {  	_ =	shalt  }
0x46: {  	_ =	shalt  }
0x47: {  	_ =	shalt  }
0x48: {  	_ =	shalt  }
0x49: {  	_ =	shalt  }
0x4a: {  	_ =	shalt  }
0x4b: {  	_ =	shalt  }
0x4c: {  	_ =	shalt  }
0x4d: {  	_ =	shalt  }
0x4e: {  	_ =	shalt  }
0x4f: {  	_ =	shalt  }
0x50: {  	_ =	shalt  }
0x51: {  	_ =	shalt  }
0x52: {  	_ =	shalt  }
0x53: {  	_ =	shalt  }
0x54: {  	_ =	shalt  }
0x55: {  	_ =	shalt  }
0x56: {  	_ =	shalt  }
0x57: {  	_ =	shalt  }
0x58: {  	_ =	shalt  }
0x59: {  	_ =	shalt  }
0x5a: {  	_ =	shalt  }
0x5b: {  	_ =	shalt  }
0x5c: {  	_ =	shalt  }
0x5d: {  	_ =	shalt  }
0x5e: {  	_ =	shalt  }
0x5f: {  	_ =	shalt  }
0x60: {  	_ =	shalt  }
0x61: {  	_ =	shalt  }
0x62: {  	_ =	shalt  }
0x63: {  	_ =	shalt  }
0x64: {  	_ =	shalt  }
0x65: {  	_ =	shalt  }
0x66: {  	_ =	shalt  }
0x67: {  	_ =	shalt  }
0x68: {  	_ =	shalt  }
0x69: {  	_ =	shalt  }
0x6a: {  	_ =	shalt  }
0x6b: {  	_ =	shalt  }
0x6c: {  	_ =	shalt  }
0x6d: {  	_ =	shalt  }
0x6e: {  	_ =	shalt  }
0x6f: {  	_ =	shalt  }
0x70: {  	_ =	shalt  }
0x71: {  	_ =	shalt  }
0x72: {  	_ =	shalt  }
0x73: {  	_ =	shalt  }
0x74: {  	_ =	shalt  }
0x75: {  	_ =	shalt  }
0x76: {  	_ =	shalt  }
0x77: {  	_ =	shalt  }
0x78: {  	_ =	shalt  }
0x79: {  	_ =	shalt  }
0x7a: {  	_ =	shalt  }
0x7b: {  	_ =	shalt  }
0x7c: {  	_ =	shalt  }
0x7d: {  	_ =	shalt  }
0x7e: {  	_ =	shalt  }
0x7f: {  	_ =	shalt  }
0x80: {  	_ =	shalt  }
0x81: {  	_ =	shalt  }
0x82: {  	_ =	shalt  }
0x83: {  	_ =	shalt  }
0x84: {  	_ =	shalt  }
0x85: {  	_ =	shalt  }
0x86: {  	_ =	shalt  }
0x87: {  	_ =	shalt  }
.Lfunc_end0:
.L_simem_size_0:
called_computation_lowered:
.L_overlay_start_0:
0x88: {  	s2 =	sld [smem:$0x3FD9]  }
0x89: {  	s3 =	sld [smem:$0x3FFE];
	_ =	sdelay $0x1  }
0x8a: {  	s1 =	srdreg.scid  }
0x8b: {  	s0 =	sand.u32 $0x1, s1  }
0x8c: {  	s17 =	sshll.u32 s0, $0xA;
	s2 =	sadd.s32 s3, s2  }
0x8d: {  	s2 =	sadd.s32 s2, s17  }
0x8e: {  	[smem:$0x3FC5] =	sst s2  }
0x8f: {  	_ = 	snop  }
0x90: {  	s2 =	sld [smem:$0x3FC9]  }
0x91: {  	s18 =	sld [smem:$0x3FD0];
	(tm) =	ssettm $0x1  }
0x92: {  	s4 =	sld [smem:$0x3FFB];
	_ =	sdelay $0x3  }
0x93: {  	_ =	strace s4  }
0x94: {  	s4 =	sld [smem:$0x3FFC];
	_ =	sdelay $0x3  }
0x95: {  	_ =	strace s4  }
0x96: {  	s4 =	sld [smem:$0x3FFD];
	_ =	sdelay $0x3  }
0x97: {  	_ =	strace s4  }
0x98: {  	_ =	strace $0x8FFFFFFF  }
0x99: {  	s19 =	sld [smem:$0x3FDB];
	_ =	sdelay $0x1  }
0x9a: {  	s5 =	simm.s32 $_scs_section_size  }
0x9b: {  	s6 =	simm.s32 $_size__tile_overlayer_lowered;
	s7 =	simm.s32 $_tile_overlayer_lowered  }
0x9c: {  	s22 =	simm.s32 $0x1BFF;
	s21 =	sshll.u32 s7, $0x1;
	s4 =	sadd.s32 s5, s19  }
0x9d: {  	s8 =	simm.s32 $0x0;
	s20 =	sshll.u32 s6, $0x1;
	s6 =	sadd.s32 s21, s4  }
0x9e: {  	[timem:s8], [sflag:s22] =	dma.local [hbm:s6], s20  }
0x9f: {  	_ =	swait.ge [sflag:s22], s20  }
0xa0: {  	s5 =	ssub.s32 $0x0, s20;
	[sflag:s22] =	ssyncset.done $0x0  }
0xa1: {  	[sflag:s22] =	ssyncadd.s32 s5;
	_ =	sdelay $0x1  }
0xa2: {  	s23 =	simm.s32 $0x1B8B  }
0xa3: {  	_ =	swait.ge [sflag:s23], $0x1  }
0xa4: {  	[sflag:s23] =	ssyncset.done $0x0  }
0xa5: {  	s25 =	simm.s32 $0x1B8E;
	s24 =	sld [smem:$0x3FFE];
	[sflag:s23] =	ssyncadd.s32 $0xFFFFFFFF  }
0xa6: {  	s26 =	simm.s32 $execute0_lowered;
	[smem:$0x3FD2] =	sst s25  }
0xa7: {  	s6 =	sshll.u32 s26, $0x1;
	_ =	strace $0x80000046;
	[dreg:$0x1] =	wrdreg $0xFFFFFFFF  }
0xa8: {  	s28 =	simm.s32 $_size_execute0_lowered;
	s4 =	sadd.s32 s4, s6;
	[dreg:$0x0] =	wrdreg $0x0  }
0xa9: {  	s6 =	sshll.u32 s28, $0x1;
	[dreg:$0x2] =	wrdreg s4  }
0xaa: {  	[dreg:$0x3] =	wrdreg s6  }
0xab: {  	[dreg:$0x4] =	wrdreg $0xC0  }
0xac: {  	_ =	task [dreg:s8], $0x5FFFF  }
0xad: {  	[dreg:$0x1] =	wrdreg $0xFFFFFFFF  }
0xae: {  	[dreg:$0x0] =	wrdreg $0x60  }
0xaf: {  	[dreg:$0x2] =	wrdreg s2  }
0xb0: {  	[dreg:$0x3] =	wrdreg s24  }
0xb1: {  	[dreg:$0x4] =	wrdreg s18  }
0xb2: {  	[dreg:$0x5] =	wrdreg $0x9  }
0xb3: {  	_ =	task.clear_ibuf [dreg:s8], $0x6FFFF;
	_ =	strace $0x90000046  }
0xb4: {  	s29 =	simm.s32 $0x9;
	_ =	strace $0x80000048  }
0xb5: {  	_ =	swait.ge [sflag:s29], $0x1  }
0xb6: {  	[sflag:s29] =	ssyncadd.s32 $0xFFFFFFFF  }
0xb7: {  	_ =	strace $0x90000048  }
0xb8: {  	_ =	sfence  }
0xb9: {  	s30 =	sld [smem:$0x0];
	_ =	sdelay $0x2  }
0xba: {  	s31 =	sshll.u32 s1, $0xD;
	s1 =	sshrl.u32 s1, $0x2  }
0xbb: {  	s3 =	sand.u32 $0x4000, s31;
	s1 =	sadd.s32 s1, s30  }
0xbc: {  	s0 =	sor.u32 s3, s0;
	s1 =	sshll.u32 s1, $0x11  }
0xbd: {  	s0 =	sor.u32 s1, s0  }
0xbe: {  	s0 =	sadd.s32 $0x8F2B, s0  }
0xbf: {  	[sflag:s0] =	ssyncadd.remote.s32 $0x1  }
0xc0: {  	_ =	sfence.sel $0xFFFF  }
0xc1: {  	[dreg:$0x0] =	wrdreg $0xFFFFFFFF;
	(pc) =	sbr.abs _section_cstart, $3  }
0xc2: {  	[dreg:$0x1] =	wrdreg $0xFFFFFFFF  }
0xc3: {  	_ =	task.clear_ibuf [dreg:s8], $0x2FFFF;
	_ =	strace $0x9FFFFFFF  }
0xc4: {  	(tm) =	ssettm $0x7FFFFFFF  }
0xc5: {  	_ =	shalt  }
tec
execute0_lowered:
.L_overlay_start_1:
0x0: {  	(tag) =	ssettag $0x1  }
0x1: {  	s3 =	rddreg [dreg:$0x0];
	s1 =	srdreg.scid  }
0x2: {  	s7 =	rddreg [dreg:$0x1];
	s0 =	stileid.u32;
	s8 =	sand.u32 $0x1, s1  }
0x3: {  	s4 =	rddreg [dreg:$0x2];
	s5 =	sshll.u32 s0, $0x9;
	s6 =	sshll.u32 s8, $0x8  }
0x4: {  	s2 =	simm.s32 $0x0;
	s1 =	rddreg [dreg:$0x3];
	s9 =	sor.u32 s6, s5  }
0x5: {  	[smem:$0x7FF] =	sst s2;
	s5 =	sshrl.u32 s9, $0x3  }
0x6: {  	_ =	strace $0x80000047;
	s5 =	sadd.s32 s3, s5;
	s3 =	simm.s32 $0x2  }
0x7: {  	v0 =	vlaneseq.u32;
	[tilespmem:s2], [sflag:$0x2] =	stream.linear.gather [hbm4b:s5+s2], $0x100, $0x38;
	[tilespmem:$0x4200] =	vst v63  }
0x8: {  	v15 =	vmul.u32 $0xFFFFFFFF, v0;
	_ =	swait.ge [sflag:s3], $0x100  }
0x9: {  	s6 =	sxor.u32 $0x1F0F, s9;
	[sflag:s3] =	ssyncset.done $0x0  }
0xa: {  	s10 =	sxor.u32 $0x1F1F, s9;
	v0 =	vadd.s32 s6, v15;
	[sflag:s3] =	ssyncadd.s32 $0xFFFFFF00  }
0xb: {  	s19 =	sxor.u32 $0x1F2F, s9;
	v1 =	vadd.s32 s10, v15;
	[tilespmem:$0x1F0] =	vst v0  }
0xc: {  	s20 =	sxor.u32 $0x1F3F, s9;
	v2 =	vadd.s32 s19, v15;
	[tilespmem:$0x1E0] =	vst v1  }
0xd: {  	s8 =	ssub.s32 $0x2, s8;
	s21 =	sxor.u32 $0x1F4F, s9;
	v3 =	vadd.s32 s20, v15;
	[tilespmem:$0x1D0] =	vst v2  }
0xe: {  	s24 =	sshrl.u32 s8, $0x1;
	s22 =	sxor.u32 $0x1F5F, s9;
	v4 =	vadd.s32 s21, v15;
	[tilespmem:$0x1C0] =	vst v3  }
0xf: {  	s11 =	sxor.u32 $0x1F6F, s9;
	s8 =	ssub.s32 s8, s24;
	v5 =	vadd.s32 s22, v15;
	[tilespmem:$0x1B0] =	vst v4  }
0x10: {  	s12 =	sxor.u32 $0x1F7F, s9;
	v6 =	vadd.s32 s11, v15;
	s14 =	smax.u32 s8, $0x1;
	[tilespmem:$0x1A0] =	vst v5  }
0x11: {  	s23 =	sshll.u32 s9, $0x3;
	s25 =	sxor.u32 $0x1F8F, s9;
	v7 =	vadd.s32 s12, v15;
	p0 =	sne.s32 s14, $0x1;
	[tilespmem:$0x190] =	vst v6  }
.Ltmp0:
0x12: {  	s26 =	sxor.u32 $0x1FFF, s9;
	s28 =	sxor.u32 $0x1F9F, s9;
	v8 =	vadd.s32 s25, v15;
	[tilespmem:$0x180] =	vst v7;
	(pc) =	sbr.rel @!p0 .LBB2_2-.Ltmp0, $4  }
0x13: {  	s29 =	sxor.u32 $0x1FEF, s9;
	s13 =	sxor.u32 $0x1FDF, s9;
	s30 =	sxor.u32 $0x1FAF, s9;
	v9 =	vadd.s32 s28, v15;
	[tilespmem:$0x170] =	vst v8  }
0x14: {  	s31 =	sxor.u32 $0x1FCF, s9;
	s9 =	sxor.u32 $0x1FBF, s9;
	s6 =	sadd.s32 $0xF42A00, s7;
	v10 =	vadd.s32 s30, v15;
	[tilespmem:$0x160] =	vst v9  }
0x15: {  	s7 =	sadd.s32 s23, s7;
	v11 =	vadd.s32 s26, v15;
	v12 =	vadd.s32 s9, v15;
	s8 =	simm.s32 $0x100;
	s9 =	simm.s32 $0x200;
	[tilespmem:$0x150] =	vst v10  }
0x16: {  	v13 =	vadd.s32 s29, v15;
	v14 =	vadd.s32 s13, v15;
	v15 =	vadd.s32 s31, v15;
	s10 =	simm.s32 $0x1;
	s7 =	sadd.s32 $0x600, s7;
	s11 =	sadd.s32 $0xFFFFFFFF, s14;
	[tilespmem:$0x140] =	vst v12  }
.LBB2_1:
0x17: {  	p0 =	sne.s32 s11, $0x1;
	s11 =	sadd.s32 $0xFFFFFFFF, s11;
	[tilespmem:$0x130] =	vst v15  }
0x18: {  	[tilespmem:$0x120] =	vst v14  }
0x19: {  	[tilespmem:$0x100] =	vst v11  }
0x1a: {  	[tilespmem:$0x110] =	vst v13  }
0x1b: {  	[tilespmem:s9], [sflag:$0x1] =	stream.indirect.gather [hbm4b:s4+s8], $0x40, s8, s8, $0xb8;
	[tilespmem:$0x4200] =	vst v63  }
0x1c: {  	_ =	swait.ge [sflag:s10], $0x4000  }
0x1d: {  	[sflag:s10] =	ssyncset.done $0x0  }
0x1e: {  	[sflag:s10] =	ssyncadd.s32 $0xFFFFC000  }
0x1f: {  	[tilespmem:s9], [sflag:$0x1] =	stream.indirect.gather.add.f32 [hbm:s6], $0x40, s2, s8, $0xb8;
	[tilespmem:$0x4200] =	vst v63  }
0x20: {  	_ =	swait.ge [sflag:s10], $0x4000  }
0x21: {  	[sflag:s10] =	ssyncset.done $0x0  }
0x22: {  	[sflag:s10] =	ssyncadd.s32 $0xFFFFC000  }
0x23: {  	[hbm4b:s7+s2] =	stream.linear.scatter [tilespmem:s9], [sflag:$0x2], $0x4000, $0x38;
	[tilespmem:$0x4200] =	vst v63  }
0x24: {  	_ =	swait.ge [sflag:s3], $0x4000  }
0x25: {  	[sflag:s3] =	ssyncset.done $0x0  }
0x26: {  	[sflag:s3] =	ssyncadd.s32 $0xFFFFC000  }
0x27: {  	[tilespmem:s2], [sflag:$0x2] =	stream.linear.gather [hbm4b:s5+s2], $0x100, $0x38;
	[tilespmem:$0x4200] =	vst v63  }
0x28: {  	_ =	swait.ge [sflag:s3], $0x100  }
0x29: {  	[sflag:s3] =	ssyncset.done $0x0  }
0x2a: {  	[sflag:s3] =	ssyncadd.s32 $0xFFFFFF00  }
0x2b: {  	[tilespmem:$0x1F0] =	vst v0  }
0x2c: {  	[tilespmem:$0x1E0] =	vst v1  }
0x2d: {  	[tilespmem:$0x1D0] =	vst v2  }
0x2e: {  	[tilespmem:$0x1C0] =	vst v3  }
0x2f: {  	[tilespmem:$0x1B0] =	vst v4  }
0x30: {  	[tilespmem:$0x1A0] =	vst v5  }
0x31: {  	[tilespmem:$0x190] =	vst v6  }
.Ltmp1:
0x32: {  	[tilespmem:$0x180] =	vst v7;
	(pc) =	sbr.rel @p0 .LBB2_1-.Ltmp1, $4  }
0x33: {  	[tilespmem:$0x170] =	vst v8  }
0x34: {  	[tilespmem:$0x160] =	vst v9  }
0x35: {  	[tilespmem:$0x150] =	vst v10  }
0x36: {  	[tilespmem:$0x140] =	vst v12  }
.LBB2_2:
0x37: {  	[tilespmem:$0x130] =	vst v15  }
0x38: {  	[tilespmem:$0x120] =	vst v14  }
0x39: {  	[tilespmem:$0x100] =	vst v11  }
0x3a: {  	[tilespmem:$0x110] =	vst v13  }
0x3b: {  	[tilespmem:s9], [sflag:$0x1] =	stream.indirect.gather [hbm4b:s4+s8], $0x40, s8, s8, $0xb8;
	[tilespmem:$0x4200] =	vst v63  }
0x3c: {  	_ =	swait.ge [sflag:s10], $0x4000  }
0x3d: {  	[sflag:s10] =	ssyncset.done $0x0  }
0x3e: {  	[sflag:s10] =	ssyncadd.s32 $0xFFFFC000  }
0x3f: {  	[tilespmem:s9], [sflag:$0x1] =	stream.indirect.gather.add.f32 [hbm:s6], $0x40, s2, s8, $0xb8;
	[tilespmem:$0x4200] =	vst v63  }
0x40: {  	_ =	swait.ge [sflag:s10], $0x4000  }
0x41: {  	[sflag:s10] =	ssyncset.done $0x0  }
0x42: {  	[sflag:s10] =	ssyncadd.s32 $0xFFFFC000  }
0x43: {  	[hbm4b:s7+s2] =	stream.linear.scatter [tilespmem:s9], [sflag:$0x2], $0x4000, $0x38;
	[tilespmem:$0x4200] =	vst v63  }
0x44: {  	_ =	swait.ge [sflag:s3], $0x4000  }
0x45: {  	[sflag:s3] =	ssyncset.done $0x0  }
0x46: {  	[sflag:s3] =	ssyncadd.s32 $0xFFFFC000  }
0x47: {  	_ =	sfence.sel $0x180000  }
0x48: {  	[bflag:$0x0] =	sbarrier.arrive $0xFFFF  }
0x49: {  	p0 =	sne.s32 s0, $0x0;
	_ =	strace $0x90000047  }
0x4a: {  	s0 =	sadd.s32 @!p0 $0x100000, s1;
	[bflag:$0x2] =	sbarrier.arrive $0xFFFF  }
0x4b: {  	[sflag:s0] =	ssyncadd.tile.s32 @!p0 $0x1;
	_ =	shalt  }
.Lfunc_end2:
_tile_overlayer_lowered:
.L_overlay_start_2:
0x4c: {  	(tag) =	ssettag $0x2  }
0x4d: {  	s0 =	rddreg [dreg:$0x0];
	s2 =	stileid.u32  }
0x4e: {  	s1 =	rddreg [dreg:$0x1];
	p0 =	sne.s32 s2, $0x0  }
0x4f: {  	s3 =	rddreg [dreg:$0x2];
	[bflag:$0x3] =	sbarrier.arrive $0xFFFF;
	s2 =	simm.s32 @!p0 $0x1C02  }
0x50: {  	[timem:s3], [sflag:s2] =	dma.local @!p0 [hbm:s0], s1  }
0x51: {  	s0 =	simm.s32 @!p0 $0x2  }
0x52: {  	_ =	swait.ge @!p0 [sflag:s0], s1  }
0x53: {  	s1 =	ssub.s32 @!p0 $0x0, s1;
	[sflag:s0] =	ssyncset.done @!p0 $0x0  }
0x54: {  	[sflag:s0] =	ssyncadd.s32 @!p0 s1  }
0x55: {  	[bflag:$0x3] =	sbarrier.arrive $0xFFFF  }
0x56: {  	_ =	shalt  }

</sc_bundles>
